<compile_context>
chip_gen: v7x
topology: tpu7x:2x2x1
jax: 0.10.2.dev20260603
libtpu: 0.0.44.dev20260713+nightly
codegen_flags: <defaults>
</compile_context>

<pallas_src>
import functools

import jax
import jax.numpy as jnp
from jax.experimental import pallas as pl
from jax.experimental.pallas import tpu as pltpu

_NUM_CLUSTERS = 8
_NUM_GRAPHS = 16
_N_NODES = 100000
_D_FEAT = 128
_HIDDEN = 32
_BLK = 10000


def _body(x_ref, seg_ref, w1t_ref, b1_ref, w2t_ref, b2_ref, at_ref, coarse_ref):
    x = x_ref[...]
    h = jax.lax.dot_general(w1t_ref[...], x, (((1,), (1,)), ((), ())),
                            preferred_element_type=jnp.float32)
    h = jnp.maximum(h + b1_ref[...], 0.0)
    logits = jax.lax.dot_general(w2t_ref[...], h, (((1,), (0,)), ((), ())),
                                 preferred_element_type=jnp.float32)
    logits = logits + b2_ref[...]
    e = jnp.exp(logits)
    denom = jnp.sum(e, axis=0, keepdims=True)
    a_t = e / denom
    at_ref[0] = a_t

    seg = seg_ref[0]
    gid = jax.lax.broadcasted_iota(jnp.int32, (_NUM_GRAPHS, _BLK), 0)
    onehot_t = (gid == seg).astype(jnp.float32)
    cc = jax.lax.broadcasted_iota(jnp.int32, (_NUM_GRAPHS * _NUM_CLUSTERS, _NUM_GRAPHS), 0)
    cg = jax.lax.broadcasted_iota(jnp.int32, (_NUM_GRAPHS * _NUM_CLUSTERS, _NUM_GRAPHS), 1)
    s_mat = (cc // _NUM_CLUSTERS == cg).astype(jnp.float32)
    rc = jax.lax.broadcasted_iota(jnp.int32, (_NUM_GRAPHS * _NUM_CLUSTERS, _NUM_CLUSTERS), 0)
    rk = jax.lax.broadcasted_iota(jnp.int32, (_NUM_GRAPHS * _NUM_CLUSTERS, _NUM_CLUSTERS), 1)
    r_mat = (rc % _NUM_CLUSTERS == rk).astype(jnp.float32)
    e_t = jax.lax.dot_general(s_mat, onehot_t, (((1,), (0,)), ((), ())),
                              preferred_element_type=jnp.float32)
    t_t = jax.lax.dot_general(r_mat, a_t, (((1,), (0,)), ((), ())),
                              preferred_element_type=jnp.float32)
    m_t = e_t * t_t

    contrib = jax.lax.dot_general(m_t, x, (((1,), (0,)), ((), ())),
                                  preferred_element_type=jnp.float32)

    @pl.when(pl.program_id(0) == 0)
    def _():
        coarse_ref[...] = jnp.zeros_like(coarse_ref)

    coarse_ref[...] += contrib


@functools.partial(jax.jit, static_argnames=())
def kernel(nodes, segment_ids, W1, b1, W2, b2):
    n_blocks = _N_NODES // _BLK
    seg3d = segment_ids.astype(jnp.int32).reshape(n_blocks, 1, _BLK)
    w1t = W1.T
    w2t = W2.T
    b1c = b1.reshape(_HIDDEN, 1)
    b2c = b2.reshape(_NUM_CLUSTERS, 1)

    grid = (n_blocks,)
    a_t, coarse_nodes = pl.pallas_call(
        _body,
        grid=grid,
        in_specs=[
            pl.BlockSpec((_BLK, _D_FEAT), lambda i: (i, 0)),
            pl.BlockSpec((1, 1, _BLK), lambda i: (i, 0, 0)),
            pl.BlockSpec((_HIDDEN, _D_FEAT), lambda i: (0, 0)),
            pl.BlockSpec((_HIDDEN, 1), lambda i: (0, 0)),
            pl.BlockSpec((_NUM_CLUSTERS, _HIDDEN), lambda i: (0, 0)),
            pl.BlockSpec((_NUM_CLUSTERS, 1), lambda i: (0, 0)),
        ],
        out_specs=[
            pl.BlockSpec((1, _NUM_CLUSTERS, _BLK), lambda i: (i, 0, 0)),
            pl.BlockSpec((_NUM_GRAPHS * _NUM_CLUSTERS, _D_FEAT), lambda i: (0, 0)),
        ],
        out_shape=[
            jax.ShapeDtypeStruct((n_blocks, _NUM_CLUSTERS, _BLK), jnp.float32),
            jax.ShapeDtypeStruct((_NUM_GRAPHS * _NUM_CLUSTERS, _D_FEAT), jnp.float32),
        ],
        compiler_params=pltpu.CompilerParams(
            dimension_semantics=("arbitrary",),
        ),
    )(nodes, seg3d, w1t, b1c, w2t, b2c)

    assignments = jnp.transpose(a_t, (0, 2, 1)).reshape(_N_NODES, _NUM_CLUSTERS)

    s, r = jnp.nonzero(jnp.ones((_NUM_CLUSTERS, _NUM_CLUSTERS)), size=_NUM_CLUSTERS ** 2)
    batch_offset = jnp.arange(_NUM_GRAPHS)[:, None] * _NUM_CLUSTERS
    c_senders = (s[None, :] + batch_offset).reshape(-1)
    c_receivers = (r[None, :] + batch_offset).reshape(-1)
    c_edges = jnp.ones((c_senders.shape[0], 1), dtype=jnp.float32)
    c_n_node = jnp.full((_NUM_GRAPHS,), _NUM_CLUSTERS)
    c_n_edge = jnp.full((_NUM_GRAPHS,), _NUM_CLUSTERS ** 2)
    return (coarse_nodes, c_senders, c_receivers, c_edges, c_n_node, c_n_edge,
            assignments)

# --- scband reference (transcript-rebuilt; emitter-appended) ---
"""Pipeline reference for scband-iterative-decimator-69578470195871 (READ-ONLY COPY).

The authoritative reference and input builder live on the scoring server;
editing this copy changes nothing except your own understanding.
"""

import jax, jax.numpy as jnp
import numpy as np

NUM_CLUSTERS = 8
NUM_GRAPHS = 16
N_NODES = 100000
D_FEAT = 128
HIDDEN = 32


def setup_inputs(seed: int = 0) -> dict:
    key = jax.random.key(seed)
    k1, k2, k3, k4 = jax.random.split(key, 4)
    nodes = jax.random.normal(k1, (N_NODES, D_FEAT), dtype=jnp.float32)
    # batch_indices = jnp.repeat(jnp.arange(num_graphs), n_node) in the original;
    # materialized directly as sorted segment ids over 16 graphs.
    segment_ids = jnp.sort(jax.random.randint(k2, (N_NODES,), 0, NUM_GRAPHS)).astype(jnp.int64)
    W1 = jax.random.normal(k3, (D_FEAT, HIDDEN), dtype=jnp.float32) * 0.05
    b1 = jnp.zeros((HIDDEN,), dtype=jnp.float32)
    W2 = jax.random.normal(k4, (HIDDEN, NUM_CLUSTERS), dtype=jnp.float32) * 0.05
    b2 = jnp.zeros((NUM_CLUSTERS,), dtype=jnp.float32)
    return {"nodes": nodes, "segment_ids": segment_ids, "W1": W1, "b1": b1, "W2": W2, "b2": b2}


def reference(nodes, segment_ids, W1, b1, W2, b2):
    # MLP([32, num_clusters]) with relu between layers (activate_final=False)
    h = jnp.maximum(nodes @ W1 + b1, 0.0)
    assignment_logits = h @ W2 + b2
    assignments = jax.nn.softmax(assignment_logits, axis=-1)

    # Soft-cluster pooling: per-cluster weighted segment_sum over graphs
    coarse = []
    for k in range(NUM_CLUSTERS):
        weighted_nodes = nodes * assignments[:, k:k + 1]
        coarse_k = jax.ops.segment_sum(weighted_nodes, segment_ids, num_segments=NUM_GRAPHS)
        coarse.append(coarse_k)
    coarse_nodes = jnp.stack(coarse, axis=1).reshape(-1, nodes.shape[-1])

    # Fully-connected coarse edge structure (constant w.r.t. data)
    s, r = jnp.nonzero(jnp.ones((NUM_CLUSTERS, NUM_CLUSTERS)), size=NUM_CLUSTERS ** 2)
    batch_offset = jnp.arange(NUM_GRAPHS)[:, None] * NUM_CLUSTERS
    c_senders = (s[None, :] + batch_offset).reshape(-1)
    c_receivers = (r[None, :] + batch_offset).reshape(-1)
    c_edges = jnp.ones((c_senders.shape[0], 1), dtype=jnp.float32)
    c_n_node = jnp.full((NUM_GRAPHS,), NUM_CLUSTERS)
    c_n_edge = jnp.full((NUM_GRAPHS,), NUM_CLUSTERS ** 2)
    return (coarse_nodes, c_senders, c_receivers, c_edges, c_n_node, c_n_edge, assignments)

if __name__ == "__main__":
    import jax
    _d = setup_inputs()
    print(jax.jit(kernel)(*tuple(_d.values())))

</pallas_src>

<mosaic_0001>
module attributes {stable_mosaic.version = 14 : i64} {
  func.func @_body(%arg0: i32, %arg1: memref<10000x128xf32, #tpu.memory_space<vmem>>, %arg2: memref<1x1x10000xi32, #tpu.memory_space<vmem>>, %arg3: memref<32x128xf32, #tpu.memory_space<vmem>>, %arg4: memref<32x1xf32, #tpu.memory_space<vmem>>, %arg5: memref<8x32xf32, #tpu.memory_space<vmem>>, %arg6: memref<8x1xf32, #tpu.memory_space<vmem>>, %arg7: memref<1x8x10000xf32, #tpu.memory_space<vmem>>, %arg8: memref<128x128xf32, #tpu.memory_space<vmem>>) attributes {dimension_semantics = [#tpu.dimension_semantics<arbitrary>], iteration_bounds = array<i64: 10>, scalar_prefetch = 0 : i64, scratch_operands = 0 : i64, tpu.core_type = #tpu.core_type<tc>, window_params = [{transform_indices = @transform_0, window_bounds = array<i64: 10000, 128>}, {transform_indices = @transform_1, window_bounds = array<i64: 1, 1, 10000>}, {pipeline_mode = #tpu.pipeline_mode<synchronous>, transform_indices = @transform_2, window_bounds = array<i64: 32, 128>}, {pipeline_mode = #tpu.pipeline_mode<synchronous>, transform_indices = @transform_3, window_bounds = array<i64: 32, 1>}, {pipeline_mode = #tpu.pipeline_mode<synchronous>, transform_indices = @transform_4, window_bounds = array<i64: 8, 32>}, {pipeline_mode = #tpu.pipeline_mode<synchronous>, transform_indices = @transform_5, window_bounds = array<i64: 8, 1>}, {transform_indices = @transform_6, window_bounds = array<i64: 1, 8, 10000>}, {pipeline_mode = #tpu.pipeline_mode<synchronous>, transform_indices = @transform_7, window_bounds = array<i64: 128, 128>}]} {
    %get3A = arith.constant 0 : index
    %get3A_0 = arith.constant 0 : index
    %get3A_1 = vector.load %arg1[%get3A, %get3A_0] : memref<10000x128xf32, #tpu.memory_space<vmem>>, vector<10000x128xf32>
    %get3A_2 = arith.constant 0 : index
    %get3A_3 = arith.constant 0 : index
    %get3A_4 = vector.load %arg3[%get3A_2, %get3A_3] : memref<32x128xf32, #tpu.memory_space<vmem>>, vector<32x128xf32>
    %dot_general3A = arith.constant dense<0.000000e+00> : vector<32x10000xf32>
    %dot_general3A_5 = tpu.matmul %get3A_4, %get3A_1, %dot_general3A {dimension_numbers = #tpu.dot_dimension_numbers<[1], [1], [0], [0], [0, 0, 1, 0], [], []>, transpose_lhs_hint = false} : vector<32x128xf32>, vector<10000x128xf32>, vector<32x10000xf32> -> vector<32x10000xf32>
    %get3A_6 = arith.constant 0 : index
    %get3A_7 = arith.constant 0 : index
    %get3A_8 = vector.load %arg4[%get3A_6, %get3A_7] : memref<32x1xf32, #tpu.memory_space<vmem>>, vector<32x1xf32>
    %add3A = vector.broadcast %get3A_8 : vector<32x1xf32> to vector<32x10000xf32>
    %add3A_9 = arith.addf %dot_general3A_5, %add3A : vector<32x10000xf32>
    %max3A = arith.constant 0.000000e+00 : f32
    %max3A_10 = vector.broadcast %max3A : f32 to vector<32x10000xf32>
    %max3A_11 = arith.maximumf %add3A_9, %max3A_10 : vector<32x10000xf32>
    %get3A_12 = arith.constant 0 : index
    %get3A_13 = arith.constant 0 : index
    %get3A_14 = vector.load %arg5[%get3A_12, %get3A_13] : memref<8x32xf32, #tpu.memory_space<vmem>>, vector<8x32xf32>
    %dot_general3A_15 = arith.constant dense<0.000000e+00> : vector<8x10000xf32>
    %dot_general3A_16 = tpu.matmul %get3A_14, %max3A_11, %dot_general3A_15 {dimension_numbers = #tpu.dot_dimension_numbers<[1], [0], [0], [1], [0, 0, 1, 1], [], []>, transpose_lhs_hint = false} : vector<8x32xf32>, vector<32x10000xf32>, vector<8x10000xf32> -> vector<8x10000xf32>
    %get3A_17 = arith.constant 0 : index
    %get3A_18 = arith.constant 0 : index
    %get3A_19 = vector.load %arg6[%get3A_17, %get3A_18] : memref<8x1xf32, #tpu.memory_space<vmem>>, vector<8x1xf32>
    %add3A_20 = vector.broadcast %get3A_19 : vector<8x1xf32> to vector<8x10000xf32>
    %add3A_21 = arith.addf %dot_general3A_16, %add3A_20 : vector<8x10000xf32>
    %exp3A = math.exp %add3A_21 : vector<8x10000xf32>
    %reduce_sum3A = arith.constant dense<0.000000e+00> : vector<10000xf32>
    %reduce_sum3A_22 = vector.multi_reduction <add>, %exp3A, %reduce_sum3A [0] : vector<8x10000xf32> to vector<10000xf32>
    %broadcast_in_dim3A = vector.shape_cast %reduce_sum3A_22 : vector<10000xf32> to vector<1x10000xf32>
    %div3A = vector.broadcast %broadcast_in_dim3A : vector<1x10000xf32> to vector<8x10000xf32>
    %div3A_23 = arith.divf %exp3A, %div3A : vector<8x10000xf32>
    %swap3A = arith.constant 0 : index
    %swap3A_24 = arith.constant 0 : index
    %swap3A_25 = arith.constant 0 : index
    %swap3A_26 = vector.load %arg7[%swap3A, %swap3A_24, %swap3A_25] : memref<1x8x10000xf32, #tpu.memory_space<vmem>>, vector<1x8x10000xf32>
    %swap3A_27 = vector.shape_cast %swap3A_26 : vector<1x8x10000xf32> to vector<8x10000xf32>
    %swap3A_28 = vector.shape_cast %div3A_23 : vector<8x10000xf32> to vector<1x8x10000xf32>
    tpu.vector_store %arg7[%swap3A, %swap3A_24, %swap3A_25], %swap3A_28 {strides = array<i32>} : memref<1x8x10000xf32, #tpu.memory_space<vmem>>, vector<1x8x10000xf32>,
    %get3A_29 = arith.constant 0 : index
    %get3A_30 = arith.constant 0 : index
    %get3A_31 = arith.constant 0 : index
    %get3A_32 = vector.load %arg2[%get3A_29, %get3A_30, %get3A_31] : memref<1x1x10000xi32, #tpu.memory_space<vmem>>, vector<1x1x10000xi32>
    %get3A_33 = vector.shape_cast %get3A_32 : vector<1x1x10000xi32> to vector<1x10000xi32>
    %iota3A = tpu.iota {dimensions = array<i32: 0>} : vector<16x10000xi32>
    %eq3A = vector.broadcast %get3A_33 : vector<1x10000xi32> to vector<16x10000xi32>
    %eq3A_34 = arith.cmpi eq, %iota3A, %eq3A : vector<16x10000xi32>
    %convert_element_type3A = arith.extui %eq3A_34 : vector<16x10000xi1> to vector<16x10000xi32>
    %convert_element_type3A_35 = arith.sitofp %convert_element_type3A : vector<16x10000xi32> to vector<16x10000xf32>
    %iota3A_36 = tpu.iota {dimensions = array<i32: 0>} : vector<128x16xi32>
    %iota3A_37 = tpu.iota {dimensions = array<i32: 1>} : vector<128x16xi32>
    %jit3A = arith.constant 8 : i32
    %div3A_38 = vector.broadcast %jit3A : i32 to vector<128x16xi32>
    %div3A_39 = arith.divsi %iota3A_36, %div3A_38 : vector<128x16xi32>
    %sign3A = arith.constant 0 : i32
    %sign3A_40 = vector.broadcast %sign3A : i32 to vector<128x16xi32>
    %sign3A_41 = arith.cmpi sgt, %iota3A_36, %sign3A_40 : vector<128x16xi32>
    %sign3A_42 = arith.extui %sign3A_41 : vector<128x16xi1> to vector<128x16xi32>
    %sign3A_43 = arith.constant 0 : i32
    %sign3A_44 = vector.broadcast %sign3A_43 : i32 to vector<128x16xi32>
    %sign3A_45 = arith.cmpi slt, %iota3A_36, %sign3A_44 : vector<128x16xi32>
    %sign3A_46 = arith.extui %sign3A_45 : vector<128x16xi1> to vector<128x16xi32>
    %sign3A_47 = arith.subi %sign3A_42, %sign3A_46 : vector<128x16xi32>
    %sign3A_48 = arith.constant 0 : i32
    %sign3A_49 = arith.cmpi sgt, %jit3A, %sign3A_48 : i32
    %sign3A_50 = arith.extui %sign3A_49 : i1 to i32
    %sign3A_51 = arith.constant 0 : i32
    %sign3A_52 = arith.cmpi slt, %jit3A, %sign3A_51 : i32
    %sign3A_53 = arith.extui %sign3A_52 : i1 to i32
    %sign3A_54 = arith.subi %sign3A_50, %sign3A_53 : i32
    %ne3A = vector.broadcast %sign3A_54 : i32 to vector<128x16xi32>
    %ne3A_55 = arith.cmpi ne, %sign3A_47, %ne3A : vector<128x16xi32>
    %rem3A = vector.broadcast %jit3A : i32 to vector<128x16xi32>
    %rem3A_56 = arith.remsi %iota3A_36, %rem3A : vector<128x16xi32>
    %ne3A_57 = arith.constant 0 : i32
    %ne3A_58 = vector.broadcast %ne3A_57 : i32 to vector<128x16xi32>
    %ne3A_59 = arith.cmpi ne, %rem3A_56, %ne3A_58 : vector<128x16xi32>
    %and3A = arith.andi %ne3A_55, %ne3A_59 : vector<128x16xi1>
    %sub3A = arith.constant 1 : i32
    %sub3A_60 = vector.broadcast %sub3A : i32 to vector<128x16xi32>
    %sub3A_61 = arith.subi %div3A_39, %sub3A_60 : vector<128x16xi32>
    %select_n3A = arith.select %and3A, %sub3A_61, %div3A_39 : vector<128x16xi1>, vector<128x16xi32>
    %eq3A_62 = arith.cmpi eq, %select_n3A, %iota3A_37 : vector<128x16xi32>
    %convert_element_type3A_63 = arith.extui %eq3A_62 : vector<128x16xi1> to vector<128x16xi32>
    %convert_element_type3A_64 = arith.sitofp %convert_element_type3A_63 : vector<128x16xi32> to vector<128x16xf32>
    %iota3A_65 = tpu.iota {dimensions = array<i32: 0>} : vector<128x8xi32>
    %iota3A_66 = tpu.iota {dimensions = array<i32: 1>} : vector<128x8xi32>
    %jit3A_67 = arith.constant 8 : i32
    %eq3A_68 = arith.constant 0 : i32
    %eq3A_69 = arith.cmpi eq, %jit3A_67, %eq3A_68 : i32
    %jit3A_70 = arith.constant 1 : i32
    %select_n3A_71 = arith.select %eq3A_69, %jit3A_70, %jit3A_67 : i32
    %rem3A_72 = vector.broadcast %select_n3A_71 : i32 to vector<128x8xi32>
    %rem3A_73 = arith.remsi %iota3A_65, %rem3A_72 : vector<128x8xi32>
    %ne3A_74 = arith.constant 0 : i32
    %ne3A_75 = vector.broadcast %ne3A_74 : i32 to vector<128x8xi32>
    %ne3A_76 = arith.cmpi ne, %rem3A_73, %ne3A_75 : vector<128x8xi32>
    %lt3A = arith.constant 0 : i32
    %lt3A_77 = vector.broadcast %lt3A : i32 to vector<128x8xi32>
    %lt3A_78 = arith.cmpi slt, %rem3A_73, %lt3A_77 : vector<128x8xi32>
    %lt3A_79 = arith.constant 0 : i32
    %lt3A_80 = arith.cmpi slt, %select_n3A_71, %lt3A_79 : i32
    %ne3A_81 = vector.broadcast %lt3A_80 : i1 to vector<128x8xi1>
    %ne3A_82 = vector.broadcast %ne3A_81 : vector<128x8xi1> to vector<128x8xi1>
    %ne3A_83 = arith.xori %lt3A_78, %ne3A_82 : vector<128x8xi1>
    %and3A_84 = arith.andi %ne3A_83, %ne3A_76 : vector<128x8xi1>
    %add3A_85 = vector.broadcast %select_n3A_71 : i32 to vector<128x8xi32>
    %add3A_86 = arith.addi %rem3A_73, %add3A_85 : vector<128x8xi32>
    %select_n3A_87 = arith.select %and3A_84, %add3A_86, %rem3A_73 : vector<128x8xi1>, vector<128x8xi32>
    %eq3A_88 = arith.cmpi eq, %select_n3A_87, %iota3A_66 : vector<128x8xi32>
    %convert_element_type3A_89 = arith.extui %eq3A_88 : vector<128x8xi1> to vector<128x8xi32>
    %convert_element_type3A_90 = arith.sitofp %convert_element_type3A_89 : vector<128x8xi32> to vector<128x8xf32>
    %dot_general3A_91 = arith.constant dense<0.000000e+00> : vector<128x10000xf32>
    %dot_general3A_92 = tpu.matmul %convert_element_type3A_64, %convert_element_type3A_35, %dot_general3A_91 {dimension_numbers = #tpu.dot_dimension_numbers<[1], [0], [0], [1], [0, 0, 1, 1], [], []>, transpose_lhs_hint = false} : vector<128x16xf32>, vector<16x10000xf32>, vector<128x10000xf32> -> vector<128x10000xf32>
    %dot_general3A_93 = arith.constant dense<0.000000e+00> : vector<128x10000xf32>
    %dot_general3A_94 = tpu.matmul %convert_element_type3A_90, %div3A_23, %dot_general3A_93 {dimension_numbers = #tpu.dot_dimension_numbers<[1], [0], [0], [1], [0, 0, 1, 1], [], []>, transpose_lhs_hint = false} : vector<128x8xf32>, vector<8x10000xf32>, vector<128x10000xf32> -> vector<128x10000xf32>
    %mul3A = arith.mulf %dot_general3A_92, %dot_general3A_94 : vector<128x10000xf32>
    %dot_general3A_95 = arith.constant dense<0.000000e+00> : vector<128x128xf32>
    %dot_general3A_96 = tpu.matmul %mul3A, %get3A_1, %dot_general3A_95 {dimension_numbers = #tpu.dot_dimension_numbers<[1], [0], [0], [1], [0, 0, 1, 1], [], []>, transpose_lhs_hint = false} : vector<128x10000xf32>, vector<10000x128xf32>, vector<128x128xf32> -> vector<128x128xf32>
    %eq3A_97 = arith.constant 0 : i32
    %eq3A_98 = arith.cmpi eq, %arg0, %eq3A_97 : i32
    %convert_element_type3A_99 = arith.extui %eq3A_98 : i1 to i32
    %cond3A = arith.constant 0 : i32
    %cond3A_100 = arith.cmpi ne, %convert_element_type3A_99, %cond3A : i32
    scf.if %cond3A_100 {
      %broadcast_in_dim3A_108 = arith.constant 0.000000e+00 : f32
      %broadcast_in_dim3A_109 = vector.broadcast %broadcast_in_dim3A_108 : f32 to vector<128x128xf32>
      %swap3A_110 = arith.constant 0 : index
      %swap3A_111 = arith.constant 0 : index
      %swap3A_112 = vector.load %arg8[%swap3A_110, %swap3A_111] : memref<128x128xf32, #tpu.memory_space<vmem>>, vector<128x128xf32>
      tpu.vector_store %arg8[%swap3A_110, %swap3A_111], %broadcast_in_dim3A_109 {strides = array<i32>} : memref<128x128xf32, #tpu.memory_space<vmem>>, vector<128x128xf32>,
    } else {
    }
    %get3A_101 = arith.constant 0 : index
    %get3A_102 = arith.constant 0 : index
    %get3A_103 = vector.load %arg8[%get3A_101, %get3A_102] : memref<128x128xf32, #tpu.memory_space<vmem>>, vector<128x128xf32>
    %add3A_104 = arith.addf %get3A_103, %dot_general3A_96 : vector<128x128xf32>
    %swap3A_105 = arith.constant 0 : index
    %swap3A_106 = arith.constant 0 : index
    %swap3A_107 = vector.load %arg8[%swap3A_105, %swap3A_106] : memref<128x128xf32, #tpu.memory_space<vmem>>, vector<128x128xf32>
    tpu.vector_store %arg8[%swap3A_105, %swap3A_106], %add3A_104 {strides = array<i32>} : memref<128x128xf32, #tpu.memory_space<vmem>>, vector<128x128xf32>,
    return
  }
  func.func @transform_0(%arg0: i32) -> (i32, i32) {
    %c0_i32 = arith.constant 0 : i32
    %c0_i32_0 = arith.constant 0 : i32
    return %arg0, %c0_i32 : i32, i32
  }
  func.func @transform_1(%arg0: i32) -> (i32, i32, i32) {
    %c0_i32 = arith.constant 0 : i32
    %c0_i32_0 = arith.constant 0 : i32
    %c0_i32_1 = arith.constant 0 : i32
    return %arg0, %c0_i32, %c0_i32_0 : i32, i32, i32
  }
  func.func @transform_2(%arg0: i32) -> (i32, i32) {
    %c0_i32 = arith.constant 0 : i32
    %c0_i32_0 = arith.constant 0 : i32
    %c0_i32_1 = arith.constant 0 : i32
    return %c0_i32, %c0_i32_0 : i32, i32
  }
  func.func @transform_3(%arg0: i32) -> (i32, i32) {
    %c0_i32 = arith.constant 0 : i32
    %c0_i32_0 = arith.constant 0 : i32
    %c0_i32_1 = arith.constant 0 : i32
    return %c0_i32, %c0_i32_0 : i32, i32
  }
  func.func @transform_4(%arg0: i32) -> (i32, i32) {
    %c0_i32 = arith.constant 0 : i32
    %c0_i32_0 = arith.constant 0 : i32
    %c0_i32_1 = arith.constant 0 : i32
    return %c0_i32, %c0_i32_0 : i32, i32
  }
  func.func @transform_5(%arg0: i32) -> (i32, i32) {
    %c0_i32 = arith.constant 0 : i32
    %c0_i32_0 = arith.constant 0 : i32
    %c0_i32_1 = arith.constant 0 : i32
    return %c0_i32, %c0_i32_0 : i32, i32
  }
  func.func @transform_6(%arg0: i32) -> (i32, i32, i32) {
    %c0_i32 = arith.constant 0 : i32
    %c0_i32_0 = arith.constant 0 : i32
    %c0_i32_1 = arith.constant 0 : i32
    return %arg0, %c0_i32, %c0_i32_0 : i32, i32, i32
  }
  func.func @transform_7(%arg0: i32) -> (i32, i32) {
    %c0_i32 = arith.constant 0 : i32
    %c0_i32_0 = arith.constant 0 : i32
    %c0_i32_1 = arith.constant 0 : i32
    return %c0_i32, %c0_i32_0 : i32, i32
  }
}

</mosaic_0001>

<sc_bundles>
// kernel: scatter_offload_async_start
scs
__scs_entry_jumppad:
0x0: {  	(pc) =	sbr.rel $0x88, $3  }
0x1: {  	(tag) =	ssettag $0x0;
	lr =	simm.s32 $0x1  }
0x2: {  	[smem:$0x3F9B] =	sst lr;
	_ =	strace $0xD0000000  }
0x3: {  	_ = 	snop  }
0x4: {  	_ = 	snop  }
0x5: {  	_ = 	snop  }
0x6: {  	_ = 	snop  }
0x7: {  	_ = 	snop  }
__scs_overlays_trampoline_lowered:
0x8: {  	[smem:$0x3FAA] =	sst s0  }
0x9: {  	[smem:$0x3FAB] =	sst s1  }
0xa: {  	[smem:$0x3FAC] =	sst s2  }
0xb: {  	[smem:$0x3FAD] =	sst s3  }
0xc: {  	[smem:$0x3FAE] =	sst s4  }
0xd: {  	[smem:$0x3FAF] =	sst s5  }
0xe: {  	[smem:$0x3FB0] =	sst s6  }
0xf: {  	[smem:$0x3FB1] =	sst s7  }
0x10: {  	[smem:$0x3FB2] =	sst s8  }
0x11: {  	[smem:$0x3FB3] =	sst s9;
	s0 =	simm.s32 @!p0 $0x0  }
0x12: {  	s1 =	sld [smem:$0x3F99];
	s0 =	simm.s32 @p0 $0x1  }
0x13: {  	[smem:$0x3FB4] =	sst s0;
	s0 =	simm.s32 @!p1 $0x0  }
0x14: {  	s2 =	sld [smem:$0x3F98];
	s0 =	simm.s32 @p1 $0x1  }
0x15: {  	[smem:$0x3FB5] =	sst s0;
	s0 =	simm.s32 @!p2 $0x0  }
0x16: {  	s3 =	sld [smem:$0x3FDB];
	s0 =	simm.s32 @p2 $0x1  }
0x17: {  	s4 =	simm.s32 $0x1BF5;
	[smem:$0x3FB7] =	sst s0  }
0x18: {  	s0 =	sld [smem:$0x3F9A];
	_ =	swait.ge [sflag:s4], $0x0  }
0x19: {  	s7 =	sld [smem:$0x3F9B]  }
0x1a: {  	s8 =	sadd.s32 $0xFFFFE003, lr  }
0x1b: {  	s9 =	sadd.s32 $0xFFFFFEF7, lr;
	s5 =	simm.s32 $0xFFFFFFFF;
	p2 =	slt.u32 s8, $0xFFFFF086  }
0x1c: {  	p1 =	slt.u32 s9, $0xF7A;
	s5 =	simm.s32 @!p2 $0x0  }
0x1d: {  	s5 =	simm.s32 @p1 $0x1;
	p0 =	seq.s32 s7, s2  }
0x1e: {  	s7 =	smul.u32 @!p0 $0xF7A, s2;
	p2 =	seq.s32 @!p0 s5, $0x0  }
0x1f: {  	s9 =	smul.u32 $0xF7A, s1;
	s8 =	simm.s32 @!p0 $0x1BF5;
	p2 =	por !p2, p0  }
0x20: {  	[sflag:s8] =	ssyncset.s32 @!p0 $0xFFFFF086;
	s6 =	sadd.s32 @!p0 s3, s7;
	s7 =	simm.s32 @!p0 $0x108  }
0x21: {  	s3 =	sadd.s32 s3, s9;
	s6 =	sadd.s32 @!p0 $0x88, s6;
	s7 =	simm.s32 @p2 $0x1082  }
0x22: {  	[simem:s7], [sflag:s8] =	dma.local @!p0 [hbm:s6], $0xF7A  }
0x23: {  	s9 =	sor.u32 $0xD0000000, s2;
	s6 =	simm.s32 $0x108;
	_ =	swait.ge @!p0 [sflag:s8], $0x0  }
0x24: {  	s3 =	sadd.s32 $0x88, s3;
	s6 =	simm.s32 @!p1 $0x1082;
	[sflag:s4] =	ssyncset.s32 $0xFFFFF086  }
0x25: {  	[simem:s6], [sflag:s4] =	dma.local [hbm:s3], $0xF7A  }
0x26: {  	[smem:$0x3F9B] =	sst s1;
	(tag) =	ssettag s2;
	_ =	strace s9  }
0x27: {  	s1 =	sld [smem:$0x3FAB]  }
0x28: {  	s2 =	sld [smem:$0x3FAC]  }
0x29: {  	s4 =	sld [smem:$0x3FAE]  }
0x2a: {  	p0 =	seq.s32 s5, $0x0;
	s5 =	sld [smem:$0x3FAF]  }
0x2b: {  	s6 =	sld [smem:$0x3FB0]  }
0x2c: {  	s7 =	sld [smem:$0x3FB1]  }
0x2d: {  	s3 =	simm.s32 $0x108;
	s8 =	sld [smem:$0x3FB2]  }
0x2e: {  	s3 =	simm.s32 @!p0 $0x1082;
	s9 =	sld [smem:$0x3FB3]  }
0x2f: {  	lr =	sadd.s32 s0, s3;
	s0 =	sld [smem:$0x3FAA]  }
0x30: {  	s3 =	sld [smem:$0x3FAD]  }
0x31: {  	[smem:$0x3FB6] =	sst s10  }
0x32: {  	s10 =	sld [smem:$0x3FB4];
	_ =	sdelay $0x3  }
0x33: {  	p0 =	seq.s32 s10, $0x1;
	s10 =	sld [smem:$0x3FB6];
	_ =	sdelay $0x3  }
0x34: {  	[smem:$0x3FB6] =	sst s10  }
0x35: {  	s10 =	sld [smem:$0x3FB5];
	_ =	sdelay $0x3  }
0x36: {  	p1 =	seq.s32 s10, $0x1;
	s10 =	sld [smem:$0x3FB6];
	_ =	sdelay $0x3  }
0x37: {  	[smem:$0x3FB6] =	sst s10  }
0x38: {  	s10 =	sld [smem:$0x3FB7]  }
0x39: {  	_ = 	snop;
	(pc) =	sbr.ind lr, $3  }
0x3a: {  	_ = 	snop  }
0x3b: {  	_ = 	snop  }
0x3c: {  	p2 =	seq.s32 s10, $0x1;
	s10 =	sld [smem:$0x3FB6]  }
0x3d: {  	_ =	shalt  }
0x3e: {  	_ =	shalt  }
0x3f: {  	_ =	shalt  }
0x40: {  	_ =	shalt  }
0x41: {  	_ =	shalt  }
0x42: {  	_ =	shalt  }
0x43: {  	_ =	shalt  }
0x44: {  	_ =	shalt  }
0x45: {  	_ =	shalt  }
0x46: {  	_ =	shalt  }
0x47: {  	_ =	shalt  }
0x48: {  	_ =	shalt  }
0x49: {  	_ =	shalt  }
0x4a: {  	_ =	shalt  }
0x4b: {  	_ =	shalt  }
0x4c: {  	_ =	shalt  }
0x4d: {  	_ =	shalt  }
0x4e: {  	_ =	shalt  }
0x4f: {  	_ =	shalt  }
0x50: {  	_ =	shalt  }
0x51: {  	_ =	shalt  }
0x52: {  	_ =	shalt  }
0x53: {  	_ =	shalt  }
0x54: {  	_ =	shalt  }
0x55: {  	_ =	shalt  }
0x56: {  	_ =	shalt  }
0x57: {  	_ =	shalt  }
0x58: {  	_ =	shalt  }
0x59: {  	_ =	shalt  }
0x5a: {  	_ =	shalt  }
0x5b: {  	_ =	shalt  }
0x5c: {  	_ =	shalt  }
0x5d: {  	_ =	shalt  }
0x5e: {  	_ =	shalt  }
0x5f: {  	_ =	shalt  }
0x60: {  	_ =	shalt  }
0x61: {  	_ =	shalt  }
0x62: {  	_ =	shalt  }
0x63: {  	_ =	shalt  }
0x64: {  	_ =	shalt  }
0x65: {  	_ =	shalt  }
0x66: {  	_ =	shalt  }
0x67: {  	_ =	shalt  }
0x68: {  	_ =	shalt  }
0x69: {  	_ =	shalt  }
0x6a: {  	_ =	shalt  }
0x6b: {  	_ =	shalt  }
0x6c: {  	_ =	shalt  }
0x6d: {  	_ =	shalt  }
0x6e: {  	_ =	shalt  }
0x6f: {  	_ =	shalt  }
0x70: {  	_ =	shalt  }
0x71: {  	_ =	shalt  }
0x72: {  	_ =	shalt  }
0x73: {  	_ =	shalt  }
0x74: {  	_ =	shalt  }
0x75: {  	_ =	shalt  }
0x76: {  	_ =	shalt  }
0x77: {  	_ =	shalt  }
0x78: {  	_ =	shalt  }
0x79: {  	_ =	shalt  }
0x7a: {  	_ =	shalt  }
0x7b: {  	_ =	shalt  }
0x7c: {  	_ =	shalt  }
0x7d: {  	_ =	shalt  }
0x7e: {  	_ =	shalt  }
0x7f: {  	_ =	shalt  }
0x80: {  	_ =	shalt  }
0x81: {  	_ =	shalt  }
0x82: {  	_ =	shalt  }
0x83: {  	_ =	shalt  }
0x84: {  	_ =	shalt  }
0x85: {  	_ =	shalt  }
0x86: {  	_ =	shalt  }
0x87: {  	_ =	shalt  }
.Lfunc_end0:
.L_simem_size_0:
called_computation_lowered:
.L_overlay_start_0:
0x88: {  	s0 =	sld [smem:$0x3FD9]  }
0x89: {  	s1 =	sld [smem:$0x3FFE];
	_ =	sdelay $0x3  }
0x8a: {  	s0 =	sadd.s32 s1, s0  }
0x8b: {  	[smem:$0x3FC2] =	sst s0  }
0x8c: {  	_ = 	snop  }
0x8d: {  	s0 =	sld [smem:$0x3FD0];
	_ =	sdelay $0x2  }
0x8e: {  	s14 =	simm.s32 $0xA;
	s2 =	simm.s32 $0x10  }
0x8f: {  	[smem:s2], [sflag:s14] =	dma.local [hbm:s0], $0x1  }
0x90: {  	_ =	swait.eq [sflag:s14], $0x1  }
0x91: {  	s15 =	sld [smem:$0x13];
	[sflag:s14] =	ssyncset.done $0x0  }
0x92: {  	s16 =	sld [smem:$0x14];
	[sflag:s14] =	ssyncadd.s32 $0xFFFFFFFF  }
0x93: {  	s17 =	sld [smem:$0x15];
	(tm) =	ssettm $0x1  }
0x94: {  	s3 =	sld [smem:$0x3FFB];
	_ =	sdelay $0x3  }
0x95: {  	_ =	strace s3  }
0x96: {  	s3 =	sld [smem:$0x3FFC];
	_ =	sdelay $0x3  }
0x97: {  	_ =	strace s3  }
0x98: {  	s3 =	sld [smem:$0x3FFD];
	_ =	sdelay $0x3  }
0x99: {  	_ =	strace s3  }
0x9a: {  	_ =	strace $0x8FFFFFFF  }
0x9b: {  	s18 =	sld [smem:$0x3FDB];
	_ =	sdelay $0x1  }
0x9c: {  	s4 =	simm.s32 $_scs_section_size  }
0x9d: {  	s5 =	simm.s32 $_size__tile_overlayer_lowered;
	s6 =	simm.s32 $_tile_overlayer_lowered  }
0x9e: {  	s21 =	simm.s32 $0x1BFF;
	s20 =	sshll.u32 s6, $0x1;
	s3 =	sadd.s32 s4, s18  }
0x9f: {  	s7 =	simm.s32 $0x0;
	s19 =	sshll.u32 s5, $0x1;
	s5 =	sadd.s32 s20, s3  }
0xa0: {  	[timem:s7], [sflag:s21] =	dma.local [hbm:s5], s19  }
0xa1: {  	_ =	swait.ge [sflag:s21], s19  }
0xa2: {  	s4 =	ssub.s32 $0x0, s19;
	[sflag:s21] =	ssyncset.done $0x0  }
0xa3: {  	[sflag:s21] =	ssyncadd.s32 s4;
	_ =	sdelay $0x1  }
0xa4: {  	s22 =	simm.s32 $0x1B8B  }
0xa5: {  	_ =	swait.ge [sflag:s22], $0x1  }
0xa6: {  	[sflag:s22] =	ssyncset.done $0x0  }
0xa7: {  	s23 =	simm.s32 $0x1B8E;
	[sflag:s22] =	ssyncadd.s32 $0xFFFFFFFF  }
0xa8: {  	s24 =	simm.s32 $execute0_lowered;
	[smem:$0x3FD2] =	sst s23  }
0xa9: {  	s4 =	sshll.u32 s24, $0x1;
	_ =	strace $0x80000046;
	[dreg:$0x1] =	wrdreg $0xFFFFFFFF  }
0xaa: {  	s25 =	simm.s32 $_size_execute0_lowered;
	s3 =	sadd.s32 s3, s4;
	[dreg:$0x0] =	wrdreg $0x0  }
0xab: {  	s4 =	sshll.u32 s25, $0x1;
	[dreg:$0x2] =	wrdreg s3  }
0xac: {  	[dreg:$0x3] =	wrdreg s4  }
0xad: {  	[dreg:$0x4] =	wrdreg $0xC0  }
0xae: {  	_ =	task [dreg:s7], $0x5FFFF  }
0xaf: {  	[dreg:$0x1] =	wrdreg $0xFFFFFFFF  }
0xb0: {  	[dreg:$0x0] =	wrdreg $0x60  }
0xb1: {  	[dreg:$0x2] =	wrdreg s17  }
0xb2: {  	[dreg:$0x3] =	wrdreg s16  }
0xb3: {  	[dreg:$0x4] =	wrdreg s15  }
0xb4: {  	[dreg:$0x5] =	wrdreg $0x9  }
0xb5: {  	_ =	task.clear_ibuf [dreg:s7], $0x6FFFF;
	_ =	strace $0x90000046  }
0xb6: {  	s26 =	simm.s32 $0x9;
	_ =	strace $0x80000048  }
0xb7: {  	_ =	swait.ge [sflag:s26], $0x1  }
0xb8: {  	[sflag:s26] =	ssyncadd.s32 $0xFFFFFFFF  }
0xb9: {  	_ =	strace $0x90000048  }
0xba: {  	_ =	sfence  }
0xbb: {  	s28 =	sld [smem:$0x0];
	_ =	sdelay $0x1  }
0xbc: {  	s29 =	srdreg.scid  }
0xbd: {  	s30 =	sshll.u32 s29, $0xD;
	s31 =	sshrl.u32 s29, $0x2  }
0xbe: {  	s1 =	sand.u32 $0x1, s29;
	s2 =	sand.u32 $0x4000, s30;
	s0 =	sadd.s32 s31, s28  }
0xbf: {  	s1 =	sor.u32 s2, s1;
	s0 =	sshll.u32 s0, $0x11  }
0xc0: {  	s0 =	sor.u32 s0, s1  }
0xc1: {  	s0 =	sadd.s32 $0x8F2B, s0  }
0xc2: {  	[sflag:s0] =	ssyncadd.remote.s32 $0x1  }
0xc3: {  	_ =	sfence.sel $0xFFFF  }
0xc4: {  	[dreg:$0x0] =	wrdreg $0xFFFFFFFF;
	(pc) =	sbr.abs _section_cstart, $3  }
0xc5: {  	[dreg:$0x1] =	wrdreg $0xFFFFFFFF  }
0xc6: {  	_ =	task.clear_ibuf [dreg:s7], $0x2FFFF;
	_ =	strace $0x9FFFFFFF  }
0xc7: {  	(tm) =	ssettm $0x7FFFFFFF  }
tec
execute0_lowered:
.L_overlay_start_1:
0x0: {  	(tag) =	ssettag $0x1  }
0x1: {  	s1 =	rddreg [dreg:$0x0]  }
0x2: {  	s5 =	rddreg [dreg:$0x1]  }
0x3: {  	s3 =	rddreg [dreg:$0x2]  }
0x4: {  	s0 =	rddreg [dreg:$0x3];
	s4 =	stileid.u32  }
0x5: {  	_ =	strace $0x80000047;
	s6 =	simm.s32 $0x3E;
	p0 =	sne.s32 s4, $0x0  }
0x6: {  	[sflag:s6] =	ssyncpa.u1 $0x0;
	s31 =	smin.u32 s4, $0x4;
	p1 =	slt.u32 s4, $0x4  }
0x7: {  	s4 =	simm.s32 $0x10;
	s7 =	simm.s32 @!p0 $0x1C3E;
	s2 =	simm.s32 @!p0 $0x0  }
0x8: {  	[spmem:s2], [sflag:s7] =	dma.local @!p0 [hbm:s1], $0x10  }
0x9: {  	s8 =	simm.s32 @!p0 $0x3E;
	s4 =	simm.s32 @!p1 $0x0;
	s7 =	sshll.u32 s31, $0x4  }
0xa: {  	_ =	swait.ge @!p0 [sflag:s8], $0x10;
	s4 =	sadd.s32 s4, s7  }
0xb: {  	[sflag:s8] =	ssyncset.done @!p0 $0x0;
	s9 =	smin.u32 s4, $0x40  }
0xc: {  	[sflag:s8] =	ssyncadd.s32 @!p0 $0xFFFFFFF0;
	s8 =	ssub.s32 s9, s7  }
0xd: {  	p1 =	sgt.s32 s8, $0x0  }
0xe: {  	s8 =	simm.s32 @!p1 $0x0  }
0xf: {  	s10 =	sshrl.u32 s8, $0x4  }
0x10: {  	s11 =	sadd.s32 $0x1, s10  }
0x11: {  	p1 =	sne.s32 s11, $0x1  }
.Ltmp0:
0x12: {  	[bflag:$0x0] =	sbarrier.arrive $0xFFFF;
	(pc) =	sbr.rel @!p1 .LBB2_1-.Ltmp0, $4  }
0x13: {  	p3 =	por $0x0, $0x0;
	s4 =	simm.s32 $0x1;
	[sflag:s6] =	ssyncpa.u1 $0x1  }
0x14: {  	s6 =	simm.s32 $0x2;
	s8 =	simm.s32 $0x0;
	p2 =	sle.u32 s10, $0x0  }
0x15: {  	[sflag:s4] =	ssyncpa.u1 $0x0;
	(ifvalue) =	ssetifvalue $0x80;
	s12 =	sxor.u32 @!p2 $0xFFFFFFFF, s8  }
0x16: {  	[sflag:s6] =	ssyncpa.u1 $0x0;
	s15 =	sshrl.u32 @!p2 s7, $0x3;
	s16 =	sand.u32 @!p2 $0x10, s12  }
0x17: {  	s12 =	sadd.s32 @!p2 s5, s15  }
0x18: {  	s13 =	sor.u32 @!p2 $0x8, s16;
	s14 =	sand.u32 @!p2 $0x7, s7;
	p1 =	por $0x1, $0x1  }
0x19: {  	[tilespmem:s13], [sflag:$0x2] =	stream.linear.gather @!p2 [hbm4b:s12+s14], $0x10, $0x38;
	[tilespmem:$0x48] =	vst v63  }
0x1a: {  	s15 =	sadd.s32 @!p2 s3, s15;
	s12 =	sor.u32 @!p2 $0x28, s16;
	s13 =	simm.s32 @!p1 $0x2  }
0x1b: {  	[tilespmem:s12], [sflag:$0x2] =	stream.linear.gather @!p2 [hbm4b:s15+s14], $0x10, $0x38;
	[tilespmem:$0x48] =	vst v63  }
0x1c: {  	_ =	swait.ge @!p1 [sflag:s13], $0x20  }
0x1d: {  	s8 =	sand.u32 @!p1 $0x10, s8;
	[sflag:s13] =	ssyncset.done @!p1 $0x0  }
0x1e: {  	s12 =	sor.u32 @!p1 $0x8, s8;
	[sflag:s13] =	ssyncadd.s32 @!p1 $0xFFFFFFE0  }
0x1f: {  	v0 =	vld.msk @!p1 [tilespmem:s12+$0x0 ss:$0x1], $0xffff;
	_ =	sdelay $0x3  }
0x20: {  	p4 =	sne.s32 s11, $0x2  }
.Ltmp1:
0x21: {  	s18 =	simm.s32 @!p1 $0x0;
	s17 =	simm.s32 @!p1 $0x1;
	v0 =	vmin.u32 @!p1 v0, $0x80;
	(pc) =	sbr.rel @!p4 .LBB2_3-.Ltmp1, $4  }
0x22: {  	s15 =	sadd.s32 $0x10, s7;
	p2 =	sle.u32 s10, $0x1;
	s14 =	smov.u32 s7  }
0x23: {  	p3 =	slt.s32 s15, s9;
	s13 =	sor.u32 @!p1 $0x28, s8;
	s8 =	simm.s32 $0x10  }
0x24: {  	s14 =	smov.u32 @p3 s15;
	p3 =	por $0x1, $0x1;
	s16 =	sxor.u32 @!p2 $0xFFFFFFFF, s8  }
0x25: {  	vm0 =	vmmov @!p1 $0xffff;
	s15 =	sshrl.u32 @!p2 s14, $0x3;
	s12 =	simm.s32 $0x2;
	s16 =	sand.u32 @!p2 $0x10, s16  }
.LBB2_4:
0x26: {  	[spmem:s18] =	stream.indirect_vreg.scatter.add.s32 @!p1 [tilespmem:s13], [sflag:$0x1], $0x1, v0, vm0, $0x4038;
	[tilespmem:$0x48] =	vst v63  }
0x27: {  	s13 =	sadd.s32 @!p2 s5, s15;
	s18 =	sor.u32 @!p2 $0x8, s16;
	_ =	swait.ge @!p1 [sflag:s17], $0x10  }
0x28: {  	s19 =	smov.u32 s12;
	s12 =	sadd.s32 $0x1, s12;
	[sflag:s17] =	ssyncset.done @!p1 $0x0  }
0x29: {  	s20 =	sand.u32 @!p2 $0x7, s14;
	[sflag:s17] =	ssyncadd.s32 @!p1 $0xFFFFFFF0;
	p1 =	seq.s32 s8, $0x0  }
0x2a: {  	[tilespmem:s18], [sflag:$0x2] =	stream.linear.gather @!p2 [hbm4b:s13+s20], $0x10, $0x38;
	[tilespmem:$0x48] =	vst v63  }
0x2b: {  	s16 =	sor.u32 @!p2 $0x28, s16;
	s17 =	simm.s32 @!p1 $0x2;
	s13 =	sand.u32 @!p1 $0x10, s8  }
0x2c: {  	s15 =	sadd.s32 @!p2 s3, s15;
	s18 =	sor.u32 @!p1 $0x8, s13;
	s13 =	sor.u32 @!p1 $0x28, s13  }
0x2d: {  	[tilespmem:s16], [sflag:$0x2] =	stream.linear.gather @!p2 [hbm4b:s15+s20], $0x10, $0x38;
	[tilespmem:$0x48] =	vst v63  }
0x2e: {  	p4 =	sne.s32 s11, s12;
	_ =	swait.ge @!p1 [sflag:s17], $0x20  }
0x2f: {  	[sflag:s17] =	ssyncset.done @!p1 $0x0  }
0x30: {  	[sflag:s17] =	ssyncadd.s32 @!p1 $0xFFFFFFE0  }
0x31: {  	v0 =	vld.msk @!p1 [tilespmem:s18+$0x0 ss:$0x1], $0xffff;
	_ =	sdelay $0x5  }
.Ltmp2:
0x32: {  	s8 =	sadd.s32 $0x10, s8;
	v0 =	vmin.u32 @!p1 v0, $0x80;
	(pc) =	sbr.rel @p4 .LBB2_4-.Ltmp2, $4  }
0x33: {  	vm0 =	vmmov @!p1 $0xffff;
	s15 =	sadd.s32 $0x10, s14;
	p2 =	sge.u32 s19, s10;
	s18 =	simm.s32 @!p1 $0x0  }
0x34: {  	s14 =	smov.u32 s7;
	p5 =	slt.s32 s15, s9;
	s17 =	simm.s32 @!p1 $0x1  }
0x35: {  	s16 =	sxor.u32 @!p2 $0xFFFFFFFF, s8;
	s14 =	smov.u32 @p5 s15  }
0x36: {  	s16 =	sand.u32 @!p2 $0x10, s16;
	s15 =	sshrl.u32 @!p2 s14, $0x3  }
0x37: {  	s7 =	smov.u32 s14  }
.LBB2_6:
0x38: {  	_ =	sdelay $0x2  }
0x39: {  	p3 =	por p1, !p3  }
0x3a: {  	[spmem:s18] =	stream.indirect_vreg.scatter.add.s32 @!p3 [tilespmem:s13], [sflag:$0x1], $0x1, v0, vm0, $0x4038;
	[tilespmem:$0x48] =	vst v63  }
0x3b: {  	_ =	swait.ge @!p3 [sflag:s17], $0x10  }
0x3c: {  	s5 =	sadd.s32 @!p2 s5, s15;
	s9 =	sor.u32 @!p2 $0x8, s16;
	[sflag:s17] =	ssyncset.done @!p3 $0x0  }
0x3d: {  	s7 =	sand.u32 @!p2 $0x7, s7;
	p1 =	seq.s32 s8, $0x0;
	[sflag:s17] =	ssyncadd.s32 @!p3 $0xFFFFFFF0  }
0x3e: {  	[tilespmem:s9], [sflag:$0x2] =	stream.linear.gather @!p2 [hbm4b:s5+s7], $0x10, $0x38;
	[tilespmem:$0x48] =	vst v63  }
0x3f: {  	s3 =	sadd.s32 @!p2 s3, s15;
	s5 =	sor.u32 @!p2 $0x28, s16;
	s9 =	simm.s32 @!p1 $0x2  }
0x40: {  	[tilespmem:s5], [sflag:$0x2] =	stream.linear.gather @!p2 [hbm4b:s3+s7], $0x10, $0x38;
	[tilespmem:$0x48] =	vst v63  }
0x41: {  	_ =	swait.ge @!p1 [sflag:s9], $0x20  }
0x42: {  	s3 =	sand.u32 @!p1 $0x10, s8;
	[sflag:s9] =	ssyncset.done @!p1 $0x0  }
0x43: {  	s5 =	sor.u32 @!p1 $0x8, s3;
	[sflag:s9] =	ssyncadd.s32 @!p1 $0xFFFFFFE0  }
0x44: {  	v0 =	vld.msk @!p1 [tilespmem:s5+$0x0 ss:$0x1], $0xffff;
	_ =	sdelay $0x4  }
0x45: {  	v0 =	vmin.u32 @!p1 v0, $0x80;
	_ =	sdelay $0x3  }
0x46: {  	vm0 =	vmmov @!p1 $0xffff;
	s7 =	simm.s32 @!p1 $0x1;
	s3 =	sor.u32 @!p1 $0x28, s3;
	s5 =	simm.s32 @!p1 $0x0  }
0x47: {  	[spmem:s5] =	stream.indirect_vreg.scatter.add.s32 @!p1 [tilespmem:s3], [sflag:$0x1], $0x1, v0, vm0, $0x4038;
	[tilespmem:$0x48] =	vst v63  }
0x48: {  	_ =	swait.ge @!p1 [sflag:s7], $0x10  }
0x49: {  	[sflag:s7] =	ssyncset.done @!p1 $0x0  }
0x4a: {  	[sflag:s7] =	ssyncadd.s32 @!p1 $0xFFFFFFF0  }
0x4b: {  	_ =	sfence.sel $0x180000  }
0x4c: {  	[bflag:$0x0] =	sbarrier.arrive $0xFFFF  }
0x4d: {  	[sflag:s6] =	ssyncpa.u1 $0x1  }
0x4e: {  	[sflag:s4] =	ssyncpa.u1 $0x1  }
0x4f: {  	_ =	sfence.stream.spmem  }
0x50: {  	s31 =	simm.s32 $0x3D;
	[bflag:$0x0] =	sbarrier.arrive $0xFFFF  }
0x51: {  	s3 =	simm.s32 @p0 $0x3D;
	[sflag:s31] =	ssyncpa.u1 $0x0  }
0x52: {  	[sflag:s3] =	ssyncpa.u1 @p0 $0x1  }
0x53: {  	[bflag:$0x0] =	sbarrier.arrive @p0 $0xFFFF  }
0x54: {  	_ =	strace @p0 $0x90000047  }
0x55: {  	s3 =	simm.s32 @!p0 $0x1C3D;
	[bflag:$0x2] =	sbarrier.arrive @p0 $0xFFFF  }
0x56: {  	[hbm:s1], [sflag:s3] =	dma.local @!p0 [spmem:s2], $0x10  }
0x57: {  	s1 =	simm.s32 @!p0 $0x3D  }
0x58: {  	_ =	swait.ge @!p0 [sflag:s1], $0x10  }
0x59: {  	[sflag:s1] =	ssyncset.done @!p0 $0x0  }
0x5a: {  	[sflag:s1] =	ssyncadd.s32 @!p0 $0xFFFFFFF0  }
0x5b: {  	[sflag:s1] =	ssyncpa.u1 @!p0 $0x1  }
0x5c: {  	[bflag:$0x0] =	sbarrier.arrive @!p0 $0xFFFF  }
0x5d: {  	_ =	strace @!p0 $0x90000047  }
0x5e: {  	s0 =	sadd.s32 @!p0 $0x100000, s0;
	[bflag:$0x2] =	sbarrier.arrive @!p0 $0xFFFF  }
0x5f: {  	[sflag:s0] =	ssyncadd.tile.s32 @!p0 $0x1;
	_ =	shalt  }
.LBB2_1:
.Ltmp3:
0x60: {  	(pc) =	sbr.rel .LBB2_6-.Ltmp3, $2  }
0x61: {  	_ =	sdelay $0x2  }
0x62: {  	_ = 	snop  }
.LBB2_3:
.Ltmp4:
0x63: {  	(pc) =	sbr.rel .LBB2_6-.Ltmp4, $2  }
0x64: {  	_ =	sdelay $0x2  }
0x65: {  	s7 =	smov.u32 s14  }
.Lfunc_end2:
_tile_overlayer_lowered:
.L_overlay_start_2:
0x66: {  	(tag) =	ssettag $0x2  }
0x67: {  	s0 =	rddreg [dreg:$0x0];
	s2 =	stileid.u32  }
0x68: {  	s1 =	rddreg [dreg:$0x1];
	p0 =	sne.s32 s2, $0x0  }
0x69: {  	s3 =	rddreg [dreg:$0x2];
	[bflag:$0x3] =	sbarrier.arrive $0xFFFF;
	s2 =	simm.s32 @!p0 $0x1C01  }
0x6a: {  	[timem:s3], [sflag:s2] =	dma.local @!p0 [hbm:s0], s1  }
0x6b: {  	s0 =	simm.s32 @!p0 $0x1  }
0x6c: {  	_ =	swait.ge @!p0 [sflag:s0], s1  }
0x6d: {  	s1 =	ssub.s32 @!p0 $0x0, s1;
	[sflag:s0] =	ssyncset.done @!p0 $0x0  }
0x6e: {  	[sflag:s0] =	ssyncadd.s32 @!p0 s1  }
0x6f: {  	[bflag:$0x3] =	sbarrier.arrive $0xFFFF  }
0x70: {  	_ =	shalt  }

</sc_bundles>
